<compile_context>
chip_gen: v7x
topology: tpu7x:2x2x1
jax: 0.10.2.dev20260603
libtpu: 0.0.44.dev20260713+nightly
codegen_flags: <defaults>
</compile_context>

<pallas_src>
import functools

import jax
import jax.numpy as jnp
from jax import lax
from jax.experimental import pallas as pl
from jax.experimental.pallas import tpu as pltpu
from jax.experimental.pallas import tpu_sc as plsc

_B = 16384
_V = 128
_L = 16

_info = plsc.get_sparse_core_info()
_NW = _info.num_subcores
_BPW = _B // _NW

_GATHER_DNUMS = lax.GatherDimensionNumbers(
    offset_dims=(), collapsed_slice_dims=(0,), start_index_map=(0,)
)


def _vgather16(vec16, idx16):
    return lax.gather(
        vec16,
        idx16[:, None],
        _GATHER_DNUMS,
        slice_sizes=(1,),
        mode=lax.GatherScatterMode.PROMISE_IN_BOUNDS,
    )


def _lookup_body(labels_hbm, table_hbm, out_hbm, idx_v, tab_v, out_v, sem):
    wid = lax.axis_index("s")
    base = wid * _BPW
    c_tab = pltpu.async_copy(table_hbm, tab_v, sem)
    c_idx = pltpu.async_copy(labels_hbm.at[pl.ds(base, _BPW)], idx_v, sem)
    c_tab.wait()
    c_idx.wait()
    tabs = [tab_v[pl.ds(k * _L, _L)] for k in range(_V // _L)]

    @plsc.parallel_loop(0, _BPW, step=_L)
    def chunk(i):
        idx = idx_v[pl.ds(i, _L)]
        lo = lax.bitwise_and(idx, _L - 1)
        hi = lax.shift_right_logical(idx, 4)
        res = _vgather16(tabs[0], lo)
        for k in range(1, _V // _L):
            res = jnp.where(hi == k, _vgather16(tabs[k], lo), res)
        out_v[pl.ds(i, _L)] = res

    pltpu.sync_copy(out_v, out_hbm.at[pl.ds(base, _BPW)])


_mesh = plsc.VectorSubcoreMesh(
    core_axis_name="c", subcore_axis_name="s", num_cores=1
)

_lookup = functools.partial(
    pl.kernel,
    mesh=_mesh,
    out_type=jax.ShapeDtypeStruct((_B,), jnp.int32),
    scratch_types=[
        pltpu.VMEM((_BPW,), jnp.int32),
        pltpu.VMEM((_V,), jnp.int32),
        pltpu.VMEM((_BPW,), jnp.int32),
        pltpu.SemaphoreType.DMA,
    ],
)(_lookup_body)


@jax.jit
def kernel(tactic_labels, tactic_index_to_numargs):
    labels = tactic_labels.astype(jnp.int32)
    table = tactic_index_to_numargs.astype(jnp.int32)
    return _lookup(labels, table)

# --- scband reference (transcript-rebuilt; emitter-appended) ---
"""Pipeline reference for scband-number-of-args-87110526697692 (READ-ONLY COPY).

The authoritative reference and input builder live on the scoring server;
editing this copy changes nothing except your own understanding.
"""

import jax, jax.numpy as jnp
import numpy as np

NUM_TACTICS = 128

def setup_inputs(seed: int = 0) -> dict:
    key = jax.random.key(seed)
    tactic_index_to_numargs = jnp.asarray([i % 10 for i in range(NUM_TACTICS)], dtype=jnp.int32)
    tactic_labels = jax.random.randint(key, (16384,), 0, NUM_TACTICS, dtype=jnp.int64)
    return {"tactic_labels": tactic_labels, "tactic_index_to_numargs": tactic_index_to_numargs}

def reference(tactic_labels, tactic_index_to_numargs):
    # Faithful translation of tf.gather(params=self.tactic_index_to_numargs, indices=tactic_labels)
    return jnp.take(tactic_index_to_numargs, tactic_labels, axis=0)

if __name__ == "__main__":
    import jax
    _d = setup_inputs()
    print(jax.jit(kernel)(*tuple(_d.values())))

</pallas_src>

<mosaic_0001>
#map = affine_map<(d0, d1) -> (0)>
module attributes {stable_mosaic.version = 14 : i64} {
  func.func @_lookup_body(%arg0: i32, %arg1: i32, %arg2: memref<16384xi32, #tpu.memory_space<hbm>>, %arg3: memref<128xi32, #tpu.memory_space<hbm>>, %arg4: memref<16384xi32, #tpu.memory_space<hbm>>, %arg5: memref<1024xi32, #tpu.memory_space<vmem>>, %arg6: memref<128xi32, #tpu.memory_space<vmem>>, %arg7: memref<1024xi32, #tpu.memory_space<vmem>>, %arg8: memref<!tpu.dma_semaphore, #tpu.memory_space<semaphore_mem>>) attributes {dimension_semantics = [#tpu.dimension_semantics<core_parallel>, #tpu.dimension_semantics<subcore_parallel>], iteration_bounds = array<i64: 1, 16>, scalar_prefetch = 0 : i64, scratch_operands = 4 : i64, tpu.core_type = #tpu.core_type<sc_vector_subcore>, window_params = [{transform_indices = #map}, {transform_indices = #map}, {transform_indices = #map}]} {
    %mul3A = arith.constant 1024 : i32
    %mul3A_0 = arith.muli %arg1, %mul3A : i32
    tpu.enqueue_dma source(%arg3 : memref<128xi32, #tpu.memory_space<hbm>>) target(%arg6 : memref<128xi32, #tpu.memory_space<vmem>>) target_semaphore(%arg8 : memref<!tpu.dma_semaphore, #tpu.memory_space<semaphore_mem>>)
    %dma_start3A = tpu.memref_slice %arg2[%mul3A_0] : memref<16384xi32, #tpu.memory_space<hbm>> -> memref<1024xi32, #tpu.memory_space<hbm>>
    %dma_start3A_1 = tpu.memref_slice %arg2[%mul3A_0] : memref<16384xi32, #tpu.memory_space<hbm>> -> memref<1024xi32, #tpu.memory_space<hbm>>
    tpu.enqueue_dma source(%dma_start3A_1 : memref<1024xi32, #tpu.memory_space<hbm>>) target(%arg5 : memref<1024xi32, #tpu.memory_space<vmem>>) target_semaphore(%arg8 : memref<!tpu.dma_semaphore, #tpu.memory_space<semaphore_mem>>)
    tpu.wait_dma2 semaphore(%arg8 : memref<!tpu.dma_semaphore, #tpu.memory_space<semaphore_mem>>) src(%arg3 : memref<128xi32, #tpu.memory_space<hbm>>) dst(%arg6 : memref<128xi32, #tpu.memory_space<vmem>>)
    %dma_wait3A = tpu.memref_slice %arg2[%mul3A_0] : memref<16384xi32, #tpu.memory_space<hbm>> -> memref<1024xi32, #tpu.memory_space<hbm>>
    %dma_wait3A_2 = tpu.memref_slice %arg2[%mul3A_0] : memref<16384xi32, #tpu.memory_space<hbm>> -> memref<1024xi32, #tpu.memory_space<hbm>>
    tpu.wait_dma2 semaphore(%arg8 : memref<!tpu.dma_semaphore, #tpu.memory_space<semaphore_mem>>) src(%dma_wait3A_2 : memref<1024xi32, #tpu.memory_space<hbm>>) dst(%arg5 : memref<1024xi32, #tpu.memory_space<vmem>>)
    %get3A = arith.constant 0 : index
    %get3A_3 = tpu.vector_load %arg6[%get3A] {strides = array<i32>} : memref<128xi32, #tpu.memory_space<vmem>>, vector<16xi32>,
    %get3A_4 = vector.shape_cast %get3A_3 : vector<16xi32> to vector<16xi32>
    %get3A_5 = arith.constant 16 : index
    %get3A_6 = tpu.vector_load %arg6[%get3A_5] {strides = array<i32>} : memref<128xi32, #tpu.memory_space<vmem>>, vector<16xi32>,
    %get3A_7 = vector.shape_cast %get3A_6 : vector<16xi32> to vector<16xi32>
    %get3A_8 = arith.constant 32 : index
    %get3A_9 = tpu.vector_load %arg6[%get3A_8] {strides = array<i32>} : memref<128xi32, #tpu.memory_space<vmem>>, vector<16xi32>,
    %get3A_10 = vector.shape_cast %get3A_9 : vector<16xi32> to vector<16xi32>
    %get3A_11 = arith.constant 48 : index
    %get3A_12 = tpu.vector_load %arg6[%get3A_11] {strides = array<i32>} : memref<128xi32, #tpu.memory_space<vmem>>, vector<16xi32>,
    %get3A_13 = vector.shape_cast %get3A_12 : vector<16xi32> to vector<16xi32>
    %get3A_14 = arith.constant 64 : index
    %get3A_15 = tpu.vector_load %arg6[%get3A_14] {strides = array<i32>} : memref<128xi32, #tpu.memory_space<vmem>>, vector<16xi32>,
    %get3A_16 = vector.shape_cast %get3A_15 : vector<16xi32> to vector<16xi32>
    %get3A_17 = arith.constant 80 : index
    %get3A_18 = tpu.vector_load %arg6[%get3A_17] {strides = array<i32>} : memref<128xi32, #tpu.memory_space<vmem>>, vector<16xi32>,
    %get3A_19 = vector.shape_cast %get3A_18 : vector<16xi32> to vector<16xi32>
    %get3A_20 = arith.constant 96 : index
    %get3A_21 = tpu.vector_load %arg6[%get3A_20] {strides = array<i32>} : memref<128xi32, #tpu.memory_space<vmem>>, vector<16xi32>,
    %get3A_22 = vector.shape_cast %get3A_21 : vector<16xi32> to vector<16xi32>
    %get3A_23 = arith.constant 112 : index
    %get3A_24 = tpu.vector_load %arg6[%get3A_23] {strides = array<i32>} : memref<128xi32, #tpu.memory_space<vmem>>, vector<16xi32>,
    %get3A_25 = vector.shape_cast %get3A_24 : vector<16xi32> to vector<16xi32>
    %parallel_loop3A = arith.constant 0 : i32
    %parallel_loop3A_26 = arith.constant 1024 : i32
    %parallel_loop3A_27 = arith.constant 16 : i32
    scf.for %parallel_loop3A_28 = %parallel_loop3A to %parallel_loop3A_26 step %parallel_loop3A_27  : i32 {
      %parallel_loop3A_29 = arith.index_cast %parallel_loop3A_28 : i32 to index
      %parallel_loop3A_30 = tpu.vector_load %arg5[%parallel_loop3A_29] {strides = array<i32>} : memref<1024xi32, #tpu.memory_space<vmem>>, vector<16xi32>,
      %parallel_loop3A_31 = vector.shape_cast %parallel_loop3A_30 : vector<16xi32> to vector<16xi32>
      %parallel_loop3A_32 = arith.constant 15 : i32
      %parallel_loop3A_33 = vector.broadcast %parallel_loop3A_32 : i32 to vector<16xi32>
      %parallel_loop3A_34 = arith.andi %parallel_loop3A_31, %parallel_loop3A_33 : vector<16xi32>
      %parallel_loop3A_35 = arith.constant 4 : i32
      %parallel_loop3A_36 = vector.broadcast %parallel_loop3A_35 : i32 to vector<16xi32>
      %parallel_loop3A_37 = arith.shrui %parallel_loop3A_31, %parallel_loop3A_36 : vector<16xi32>
      %parallel_loop3A_38 = vector.shape_cast %parallel_loop3A_34 : vector<16xi32> to vector<16x1xi32>
      %parallel_loop3A_39 = vector.shape_cast %parallel_loop3A_38 : vector<16x1xi32> to vector<16xi32>
      %parallel_loop3A_40 = tpu.dynamic_gather %get3A_4[%parallel_loop3A_39] in [0] : vector<16xi32>, vector<16xi32> -> vector<16xi32>
      %parallel_loop3A_41 = arith.constant 1 : i32
      %parallel_loop3A_42 = vector.broadcast %parallel_loop3A_41 : i32 to vector<16xi32>
      %parallel_loop3A_43 = arith.cmpi eq, %parallel_loop3A_37, %parallel_loop3A_42 : vector<16xi32>
      %parallel_loop3A_44 = vector.shape_cast %parallel_loop3A_34 : vector<16xi32> to vector<16x1xi32>
      %parallel_loop3A_45 = vector.shape_cast %parallel_loop3A_44 : vector<16x1xi32> to vector<16xi32>
      %parallel_loop3A_46 = tpu.dynamic_gather %get3A_7[%parallel_loop3A_45] in [0] : vector<16xi32>, vector<16xi32> -> vector<16xi32>
      %parallel_loop3A_47 = arith.select %parallel_loop3A_43, %parallel_loop3A_46, %parallel_loop3A_40 : vector<16xi1>, vector<16xi32>
      %parallel_loop3A_48 = arith.constant 2 : i32
      %parallel_loop3A_49 = vector.broadcast %parallel_loop3A_48 : i32 to vector<16xi32>
      %parallel_loop3A_50 = arith.cmpi eq, %parallel_loop3A_37, %parallel_loop3A_49 : vector<16xi32>
      %parallel_loop3A_51 = vector.shape_cast %parallel_loop3A_34 : vector<16xi32> to vector<16x1xi32>
      %parallel_loop3A_52 = vector.shape_cast %parallel_loop3A_51 : vector<16x1xi32> to vector<16xi32>
      %parallel_loop3A_53 = tpu.dynamic_gather %get3A_10[%parallel_loop3A_52] in [0] : vector<16xi32>, vector<16xi32> -> vector<16xi32>
      %parallel_loop3A_54 = arith.select %parallel_loop3A_50, %parallel_loop3A_53, %parallel_loop3A_47 : vector<16xi1>, vector<16xi32>
      %parallel_loop3A_55 = arith.constant 3 : i32
      %parallel_loop3A_56 = vector.broadcast %parallel_loop3A_55 : i32 to vector<16xi32>
      %parallel_loop3A_57 = arith.cmpi eq, %parallel_loop3A_37, %parallel_loop3A_56 : vector<16xi32>
      %parallel_loop3A_58 = vector.shape_cast %parallel_loop3A_34 : vector<16xi32> to vector<16x1xi32>
      %parallel_loop3A_59 = vector.shape_cast %parallel_loop3A_58 : vector<16x1xi32> to vector<16xi32>
      %parallel_loop3A_60 = tpu.dynamic_gather %get3A_13[%parallel_loop3A_59] in [0] : vector<16xi32>, vector<16xi32> -> vector<16xi32>
      %parallel_loop3A_61 = arith.select %parallel_loop3A_57, %parallel_loop3A_60, %parallel_loop3A_54 : vector<16xi1>, vector<16xi32>
      %parallel_loop3A_62 = arith.constant 4 : i32
      %parallel_loop3A_63 = vector.broadcast %parallel_loop3A_62 : i32 to vector<16xi32>
      %parallel_loop3A_64 = arith.cmpi eq, %parallel_loop3A_37, %parallel_loop3A_63 : vector<16xi32>
      %parallel_loop3A_65 = vector.shape_cast %parallel_loop3A_34 : vector<16xi32> to vector<16x1xi32>
      %parallel_loop3A_66 = vector.shape_cast %parallel_loop3A_65 : vector<16x1xi32> to vector<16xi32>
      %parallel_loop3A_67 = tpu.dynamic_gather %get3A_16[%parallel_loop3A_66] in [0] : vector<16xi32>, vector<16xi32> -> vector<16xi32>
      %parallel_loop3A_68 = arith.select %parallel_loop3A_64, %parallel_loop3A_67, %parallel_loop3A_61 : vector<16xi1>, vector<16xi32>
      %parallel_loop3A_69 = arith.constant 5 : i32
      %parallel_loop3A_70 = vector.broadcast %parallel_loop3A_69 : i32 to vector<16xi32>
      %parallel_loop3A_71 = arith.cmpi eq, %parallel_loop3A_37, %parallel_loop3A_70 : vector<16xi32>
      %parallel_loop3A_72 = vector.shape_cast %parallel_loop3A_34 : vector<16xi32> to vector<16x1xi32>
      %parallel_loop3A_73 = vector.shape_cast %parallel_loop3A_72 : vector<16x1xi32> to vector<16xi32>
      %parallel_loop3A_74 = tpu.dynamic_gather %get3A_19[%parallel_loop3A_73] in [0] : vector<16xi32>, vector<16xi32> -> vector<16xi32>
      %parallel_loop3A_75 = arith.select %parallel_loop3A_71, %parallel_loop3A_74, %parallel_loop3A_68 : vector<16xi1>, vector<16xi32>
      %parallel_loop3A_76 = arith.constant 6 : i32
      %parallel_loop3A_77 = vector.broadcast %parallel_loop3A_76 : i32 to vector<16xi32>
      %parallel_loop3A_78 = arith.cmpi eq, %parallel_loop3A_37, %parallel_loop3A_77 : vector<16xi32>
      %parallel_loop3A_79 = vector.shape_cast %parallel_loop3A_34 : vector<16xi32> to vector<16x1xi32>
      %parallel_loop3A_80 = vector.shape_cast %parallel_loop3A_79 : vector<16x1xi32> to vector<16xi32>
      %parallel_loop3A_81 = tpu.dynamic_gather %get3A_22[%parallel_loop3A_80] in [0] : vector<16xi32>, vector<16xi32> -> vector<16xi32>
      %parallel_loop3A_82 = arith.select %parallel_loop3A_78, %parallel_loop3A_81, %parallel_loop3A_75 : vector<16xi1>, vector<16xi32>
      %parallel_loop3A_83 = arith.constant 7 : i32
      %parallel_loop3A_84 = vector.broadcast %parallel_loop3A_83 : i32 to vector<16xi32>
      %parallel_loop3A_85 = arith.cmpi eq, %parallel_loop3A_37, %parallel_loop3A_84 : vector<16xi32>
      %parallel_loop3A_86 = vector.shape_cast %parallel_loop3A_34 : vector<16xi32> to vector<16x1xi32>
      %parallel_loop3A_87 = vector.shape_cast %parallel_loop3A_86 : vector<16x1xi32> to vector<16xi32>
      %parallel_loop3A_88 = tpu.dynamic_gather %get3A_25[%parallel_loop3A_87] in [0] : vector<16xi32>, vector<16xi32> -> vector<16xi32>
      %parallel_loop3A_89 = arith.select %parallel_loop3A_85, %parallel_loop3A_88, %parallel_loop3A_82 : vector<16xi1>, vector<16xi32>
      %parallel_loop3A_90 = arith.index_cast %parallel_loop3A_28 : i32 to index
      %parallel_loop3A_91 = tpu.vector_load %arg7[%parallel_loop3A_90] {strides = array<i32>} : memref<1024xi32, #tpu.memory_space<vmem>>, vector<16xi32>,
      %parallel_loop3A_92 = vector.shape_cast %parallel_loop3A_91 : vector<16xi32> to vector<16xi32>
      %parallel_loop3A_93 = vector.shape_cast %parallel_loop3A_89 : vector<16xi32> to vector<16xi32>
      tpu.vector_store %arg7[%parallel_loop3A_90], %parallel_loop3A_93 {strides = array<i32>} : memref<1024xi32, #tpu.memory_space<vmem>>, vector<16xi32>,
    } {sc.loop_unroll_factor = 1 : i64, sc.parallel_access}
    "tpu.region"() ({
      %run_scoped3A = tpu.sem_alloc : memref<!tpu.dma_semaphore, #tpu.memory_space<semaphore_mem>>
      %dma_start3A_28 = tpu.memref_slice %arg4[%mul3A_0] : memref<16384xi32, #tpu.memory_space<hbm>> -> memref<1024xi32, #tpu.memory_space<hbm>>
      %dma_start3A_29 = tpu.memref_slice %arg4[%mul3A_0] : memref<16384xi32, #tpu.memory_space<hbm>> -> memref<1024xi32, #tpu.memory_space<hbm>>
      tpu.enqueue_dma source(%arg7 : memref<1024xi32, #tpu.memory_space<vmem>>) target(%dma_start3A_29 : memref<1024xi32, #tpu.memory_space<hbm>>) target_semaphore(%run_scoped3A : memref<!tpu.dma_semaphore, #tpu.memory_space<semaphore_mem>>)
      %dma_wait3A_30 = tpu.memref_slice %arg4[%mul3A_0] : memref<16384xi32, #tpu.memory_space<hbm>> -> memref<1024xi32, #tpu.memory_space<hbm>>
      %dma_wait3A_31 = tpu.memref_slice %arg4[%mul3A_0] : memref<16384xi32, #tpu.memory_space<hbm>> -> memref<1024xi32, #tpu.memory_space<hbm>>
      tpu.wait_dma2 semaphore(%run_scoped3A : memref<!tpu.dma_semaphore, #tpu.memory_space<semaphore_mem>>) src(%arg7 : memref<1024xi32, #tpu.memory_space<vmem>>) dst(%dma_wait3A_31 : memref<1024xi32, #tpu.memory_space<hbm>>)
      tpu.yield
    }) : () -> ()
    return
  }
}

</mosaic_0001>

<sc_bundles>
// kernel: kernel.3.cloned.1.call-start
scs
__scs_entry_jumppad:
0x0: {  	(pc) =	sbr.rel $0x88, $3  }
0x1: {  	(tag) =	ssettag $0x0;
	lr =	simm.s32 $0x1  }
0x2: {  	[smem:$0x3F9F] =	sst lr;
	_ =	strace $0xD0000000  }
0x3: {  	_ = 	snop  }
0x4: {  	_ = 	snop  }
0x5: {  	_ = 	snop  }
0x6: {  	_ = 	snop  }
0x7: {  	_ = 	snop  }
__scs_overlays_trampoline_lowered:
0x8: {  	[smem:$0x3FAE] =	sst s0  }
0x9: {  	[smem:$0x3FAF] =	sst s1  }
0xa: {  	[smem:$0x3FB0] =	sst s2  }
0xb: {  	[smem:$0x3FB1] =	sst s3  }
0xc: {  	[smem:$0x3FB2] =	sst s4  }
0xd: {  	[smem:$0x3FB3] =	sst s5  }
0xe: {  	[smem:$0x3FB4] =	sst s6  }
0xf: {  	[smem:$0x3FB5] =	sst s7  }
0x10: {  	[smem:$0x3FB6] =	sst s8  }
0x11: {  	[smem:$0x3FB7] =	sst s9;
	s0 =	simm.s32 @!p0 $0x0  }
0x12: {  	s1 =	sld [smem:$0x3F9D];
	s0 =	simm.s32 @p0 $0x1  }
0x13: {  	[smem:$0x3FB8] =	sst s0;
	s0 =	simm.s32 @!p1 $0x0  }
0x14: {  	s2 =	sld [smem:$0x3F9C];
	s0 =	simm.s32 @p1 $0x1  }
0x15: {  	[smem:$0x3FB9] =	sst s0;
	s0 =	simm.s32 @!p2 $0x0  }
0x16: {  	s3 =	sld [smem:$0x3FDB];
	s0 =	simm.s32 @p2 $0x1  }
0x17: {  	s4 =	simm.s32 $0x1BF5;
	[smem:$0x3FBB] =	sst s0  }
0x18: {  	s0 =	sld [smem:$0x3F9E];
	_ =	swait.ge [sflag:s4], $0x0  }
0x19: {  	s7 =	sld [smem:$0x3F9F]  }
0x1a: {  	s8 =	sadd.s32 $0xFFFFE003, lr  }
0x1b: {  	s9 =	sadd.s32 $0xFFFFFEF7, lr;
	s5 =	simm.s32 $0xFFFFFFFF;
	p2 =	slt.u32 s8, $0xFFFFF086  }
0x1c: {  	p1 =	slt.u32 s9, $0xF7A;
	s5 =	simm.s32 @!p2 $0x0  }
0x1d: {  	s5 =	simm.s32 @p1 $0x1;
	p0 =	seq.s32 s7, s2  }
0x1e: {  	s7 =	smul.u32 @!p0 $0xF7A, s2;
	p2 =	seq.s32 @!p0 s5, $0x0  }
0x1f: {  	s9 =	smul.u32 $0xF7A, s1;
	s8 =	simm.s32 @!p0 $0x1BF5;
	p2 =	por !p2, p0  }
0x20: {  	[sflag:s8] =	ssyncset.s32 @!p0 $0xFFFFF086;
	s6 =	sadd.s32 @!p0 s3, s7;
	s7 =	simm.s32 @!p0 $0x108  }
0x21: {  	s3 =	sadd.s32 s3, s9;
	s6 =	sadd.s32 @!p0 $0x88, s6;
	s7 =	simm.s32 @p2 $0x1082  }
0x22: {  	[simem:s7], [sflag:s8] =	dma.local @!p0 [hbm:s6], $0xF7A  }
0x23: {  	s9 =	sor.u32 $0xD0000000, s2;
	s6 =	simm.s32 $0x108;
	_ =	swait.ge @!p0 [sflag:s8], $0x0  }
0x24: {  	s3 =	sadd.s32 $0x88, s3;
	s6 =	simm.s32 @!p1 $0x1082;
	[sflag:s4] =	ssyncset.s32 $0xFFFFF086  }
0x25: {  	[simem:s6], [sflag:s4] =	dma.local [hbm:s3], $0xF7A  }
0x26: {  	[smem:$0x3F9F] =	sst s1;
	(tag) =	ssettag s2;
	_ =	strace s9  }
0x27: {  	s1 =	sld [smem:$0x3FAF]  }
0x28: {  	s2 =	sld [smem:$0x3FB0]  }
0x29: {  	s4 =	sld [smem:$0x3FB2]  }
0x2a: {  	p0 =	seq.s32 s5, $0x0;
	s5 =	sld [smem:$0x3FB3]  }
0x2b: {  	s6 =	sld [smem:$0x3FB4]  }
0x2c: {  	s7 =	sld [smem:$0x3FB5]  }
0x2d: {  	s3 =	simm.s32 $0x108;
	s8 =	sld [smem:$0x3FB6]  }
0x2e: {  	s3 =	simm.s32 @!p0 $0x1082;
	s9 =	sld [smem:$0x3FB7]  }
0x2f: {  	lr =	sadd.s32 s0, s3;
	s0 =	sld [smem:$0x3FAE]  }
0x30: {  	s3 =	sld [smem:$0x3FB1]  }
0x31: {  	[smem:$0x3FBA] =	sst s10  }
0x32: {  	s10 =	sld [smem:$0x3FB8];
	_ =	sdelay $0x3  }
0x33: {  	p0 =	seq.s32 s10, $0x1;
	s10 =	sld [smem:$0x3FBA];
	_ =	sdelay $0x3  }
0x34: {  	[smem:$0x3FBA] =	sst s10  }
0x35: {  	s10 =	sld [smem:$0x3FB9];
	_ =	sdelay $0x3  }
0x36: {  	p1 =	seq.s32 s10, $0x1;
	s10 =	sld [smem:$0x3FBA];
	_ =	sdelay $0x3  }
0x37: {  	[smem:$0x3FBA] =	sst s10  }
0x38: {  	s10 =	sld [smem:$0x3FBB]  }
0x39: {  	_ = 	snop;
	(pc) =	sbr.ind lr, $3  }
0x3a: {  	_ = 	snop  }
0x3b: {  	_ = 	snop  }
0x3c: {  	p2 =	seq.s32 s10, $0x1;
	s10 =	sld [smem:$0x3FBA]  }
0x3d: {  	_ =	shalt  }
0x3e: {  	_ =	shalt  }
0x3f: {  	_ =	shalt  }
0x40: {  	_ =	shalt  }
0x41: {  	_ =	shalt  }
0x42: {  	_ =	shalt  }
0x43: {  	_ =	shalt  }
0x44: {  	_ =	shalt  }
0x45: {  	_ =	shalt  }
0x46: {  	_ =	shalt  }
0x47: {  	_ =	shalt  }
0x48: {  	_ =	shalt  }
0x49: {  	_ =	shalt  }
0x4a: {  	_ =	shalt  }
0x4b: {  	_ =	shalt  }
0x4c: {  	_ =	shalt  }
0x4d: {  	_ =	shalt  }
0x4e: {  	_ =	shalt  }
0x4f: {  	_ =	shalt  }
0x50: {  	_ =	shalt  }
0x51: {  	_ =	shalt  }
0x52: {  	_ =	shalt  }
0x53: {  	_ =	shalt  }
0x54: {  	_ =	shalt  }
0x55: {  	_ =	shalt  }
0x56: {  	_ =	shalt  }
0x57: {  	_ =	shalt  }
0x58: {  	_ =	shalt  }
0x59: {  	_ =	shalt  }
0x5a: {  	_ =	shalt  }
0x5b: {  	_ =	shalt  }
0x5c: {  	_ =	shalt  }
0x5d: {  	_ =	shalt  }
0x5e: {  	_ =	shalt  }
0x5f: {  	_ =	shalt  }
0x60: {  	_ =	shalt  }
0x61: {  	_ =	shalt  }
0x62: {  	_ =	shalt  }
0x63: {  	_ =	shalt  }
0x64: {  	_ =	shalt  }
0x65: {  	_ =	shalt  }
0x66: {  	_ =	shalt  }
0x67: {  	_ =	shalt  }
0x68: {  	_ =	shalt  }
0x69: {  	_ =	shalt  }
0x6a: {  	_ =	shalt  }
0x6b: {  	_ =	shalt  }
0x6c: {  	_ =	shalt  }
0x6d: {  	_ =	shalt  }
0x6e: {  	_ =	shalt  }
0x6f: {  	_ =	shalt  }
0x70: {  	_ =	shalt  }
0x71: {  	_ =	shalt  }
0x72: {  	_ =	shalt  }
0x73: {  	_ =	shalt  }
0x74: {  	_ =	shalt  }
0x75: {  	_ =	shalt  }
0x76: {  	_ =	shalt  }
0x77: {  	_ =	shalt  }
0x78: {  	_ =	shalt  }
0x79: {  	_ =	shalt  }
0x7a: {  	_ =	shalt  }
0x7b: {  	_ =	shalt  }
0x7c: {  	_ =	shalt  }
0x7d: {  	_ =	shalt  }
0x7e: {  	_ =	shalt  }
0x7f: {  	_ =	shalt  }
0x80: {  	_ =	shalt  }
0x81: {  	_ =	shalt  }
0x82: {  	_ =	shalt  }
0x83: {  	_ =	shalt  }
0x84: {  	_ =	shalt  }
0x85: {  	_ =	shalt  }
0x86: {  	_ =	shalt  }
0x87: {  	_ =	shalt  }
.Lfunc_end0:
.L_simem_size_0:
called_computation_lowered:
.L_overlay_start_0:
0x88: {  	s0 =	sld [smem:$0x3FD9]  }
0x89: {  	s1 =	sld [smem:$0x3FFE];
	_ =	sdelay $0x3  }
0x8a: {  	s0 =	sadd.s32 s1, s0  }
0x8b: {  	[smem:$0x3FC6] =	sst s0  }
0x8c: {  	_ = 	snop  }
0x8d: {  	s0 =	sld [smem:$0x3FC9]  }
0x8e: {  	s17 =	sld [smem:$0x3FC8]  }
0x8f: {  	s2 =	sld [smem:$0x3FD0];
	(tm) =	ssettm $0x1  }
0x90: {  	s3 =	sld [smem:$0x3FFB];
	_ =	sdelay $0x3  }
0x91: {  	_ =	strace s3  }
0x92: {  	s3 =	sld [smem:$0x3FFC];
	_ =	sdelay $0x3  }
0x93: {  	_ =	strace s3  }
0x94: {  	s3 =	sld [smem:$0x3FFD];
	_ =	sdelay $0x3  }
0x95: {  	_ =	strace s3  }
0x96: {  	_ =	strace $0x8FFFFFFF  }
0x97: {  	s18 =	sld [smem:$0x3FDB];
	_ =	sdelay $0x1  }
0x98: {  	s4 =	simm.s32 $_scs_section_size  }
0x99: {  	s5 =	simm.s32 $_size__tile_overlayer_lowered;
	s6 =	simm.s32 $_tile_overlayer_lowered  }
0x9a: {  	s21 =	simm.s32 $0x1BFF;
	s20 =	sshll.u32 s6, $0x1;
	s3 =	sadd.s32 s4, s18  }
0x9b: {  	s7 =	simm.s32 $0x0;
	s19 =	sshll.u32 s5, $0x1;
	s5 =	sadd.s32 s20, s3  }
0x9c: {  	[timem:s7], [sflag:s21] =	dma.local [hbm:s5], s19  }
0x9d: {  	_ =	swait.ge [sflag:s21], s19  }
0x9e: {  	s4 =	ssub.s32 $0x0, s19;
	[sflag:s21] =	ssyncset.done $0x0  }
0x9f: {  	[sflag:s21] =	ssyncadd.s32 s4;
	_ =	sdelay $0x1  }
0xa0: {  	s22 =	simm.s32 $0x1B8B  }
0xa1: {  	_ =	swait.ge [sflag:s22], $0x1  }
0xa2: {  	[sflag:s22] =	ssyncset.done $0x0  }
0xa3: {  	s23 =	simm.s32 $0x1B8E;
	[sflag:s22] =	ssyncadd.s32 $0xFFFFFFFF  }
0xa4: {  	s24 =	simm.s32 $execute0_lowered;
	[smem:$0x3FD2] =	sst s23  }
0xa5: {  	s4 =	sshll.u32 s24, $0x1;
	_ =	strace $0x80000046;
	[dreg:$0x1] =	wrdreg $0xFFFFFFFF  }
0xa6: {  	s25 =	simm.s32 $_size_execute0_lowered;
	s3 =	sadd.s32 s3, s4;
	[dreg:$0x0] =	wrdreg $0x0  }
0xa7: {  	s4 =	sshll.u32 s25, $0x1;
	[dreg:$0x2] =	wrdreg s3  }
0xa8: {  	[dreg:$0x3] =	wrdreg s4  }
0xa9: {  	[dreg:$0x4] =	wrdreg $0xC0  }
0xaa: {  	_ =	task [dreg:s7], $0x5FFFF  }
0xab: {  	[dreg:$0x1] =	wrdreg $0xFFFFFFFF  }
0xac: {  	[dreg:$0x0] =	wrdreg $0x60  }
0xad: {  	[dreg:$0x2] =	wrdreg s0  }
0xae: {  	[dreg:$0x3] =	wrdreg s17  }
0xaf: {  	[dreg:$0x4] =	wrdreg s2  }
0xb0: {  	[dreg:$0x5] =	wrdreg $0x9  }
0xb1: {  	_ =	task.clear_ibuf [dreg:s7], $0x6FFFF;
	_ =	strace $0x90000046  }
0xb2: {  	s26 =	simm.s32 $0x9;
	_ =	strace $0x80000048  }
0xb3: {  	_ =	swait.ge [sflag:s26], $0x1  }
0xb4: {  	[sflag:s26] =	ssyncadd.s32 $0xFFFFFFFF  }
0xb5: {  	_ =	strace $0x90000048  }
0xb6: {  	_ =	sfence  }
0xb7: {  	s28 =	sld [smem:$0x0];
	_ =	sdelay $0x1  }
0xb8: {  	s29 =	srdreg.scid  }
0xb9: {  	s30 =	sshll.u32 s29, $0xD;
	s31 =	sshrl.u32 s29, $0x2  }
0xba: {  	s1 =	sand.u32 $0x1, s29;
	s2 =	sand.u32 $0x4000, s30;
	s0 =	sadd.s32 s31, s28  }
0xbb: {  	s1 =	sor.u32 s2, s1;
	s0 =	sshll.u32 s0, $0x11  }
0xbc: {  	s0 =	sor.u32 s0, s1  }
0xbd: {  	s0 =	sadd.s32 $0x8F2B, s0  }
0xbe: {  	[sflag:s0] =	ssyncadd.remote.s32 $0x1  }
0xbf: {  	_ =	sfence.sel $0xFFFF  }
0xc0: {  	[dreg:$0x0] =	wrdreg $0xFFFFFFFF;
	(pc) =	sbr.abs _section_cstart, $3  }
0xc1: {  	[dreg:$0x1] =	wrdreg $0xFFFFFFFF  }
0xc2: {  	_ =	task.clear_ibuf [dreg:s7], $0x2FFFF;
	_ =	strace $0x9FFFFFFF  }
0xc3: {  	(tm) =	ssettm $0x7FFFFFFF  }
tec
execute0_lowered:
.L_overlay_start_1:
0x0: {  	(tag) =	ssettag $0x1  }
0x1: {  	s4 =	rddreg [dreg:$0x0]  }
0x2: {  	s5 =	rddreg [dreg:$0x1]  }
0x3: {  	s2 =	rddreg [dreg:$0x2]  }
0x4: {  	s0 =	rddreg [dreg:$0x3];
	s6 =	simm.s32 $0x0  }
0x5: {  	s1 =	stileid.u32;
	[smem:$0x7FF] =	sst s6  }
0x6: {  	s7 =	simm.s32 $0x400;
	s3 =	sshll.u32 s1, $0x7;
	_ =	strace $0x80000047  }
0x7: {  	[tilespmem:s7], [sflag:$0x1] =	stream.linear.gather [hbm4b:s5+s6], $0x80, $0x38;
	[tilespmem:$0x880] =	vst v63  }
0x8: {  	s29 =	simm.s32 $0x1;
	s4 =	sadd.s32 s4, s3  }
0x9: {  	[tilespmem:s6], [sflag:$0x1] =	stream.linear.gather [hbm4b:s4+s6], $0x400, $0x38;
	[tilespmem:$0x880] =	vst v63  }
0xa: {  	_ =	swait.ge [sflag:s29], $0x80  }
0xb: {  	[sflag:s29] =	ssyncset.done $0x0  }
0xc: {  	[sflag:s29] =	ssyncadd.s32 $0xFFFFFF80  }
0xd: {  	_ =	swait.ge [sflag:s29], $0x400  }
0xe: {  	[sflag:s29] =	ssyncset.done $0x0  }
0xf: {  	[sflag:s29] =	ssyncadd.s32 $0xFFFFFC00  }
0x10: {  	v6 =	vld [tilespmem:$0x400]  }
0x11: {  	v2 =	vld [tilespmem:s6+$0x0]  }
0x12: {  	v7 =	vld [tilespmem:$0x410]  }
0x13: {  	v4 =	vld [tilespmem:$0x420]  }
0x14: {  	v5 =	vld [tilespmem:$0x430]  }
0x15: {  	v3 =	vld [tilespmem:$0x440]  }
0x16: {  	s30 =	simm.s32 $0x10;
	v1 =	vld [tilespmem:$0x450];
	v10 =	vand.u32 $0xF, v2  }
0x17: {  	v9 =	vld [tilespmem:s30+$0x0];
	v12 =	vshrl.u32 v2, $0x4;
	v11 =	vperm.xlane v6, v10;
	v13 =	vperm.xlane v7, v10  }
0x18: {  	v0 =	vld [tilespmem:$0x460];
	vm0 =	veq.s32 v12, $0x1;
	v14 =	vperm.xlane v4, v10  }
0x19: {  	v2 =	vld [tilespmem:$0x470];
	v11 =	vsel vm0, v13, v11;
	vm0 =	veq.s32 v12, $0x2;
	v13 =	vperm.xlane v5, v10  }
0x1a: {  	v15 =	vperm.xlane v3, v10;
	v14 =	vsel vm0, v14, v11;
	vm0 =	veq.s32 v12, $0x3  }
0x1b: {  	s31 =	simm.s32 $0x20;
	v13 =	vsel vm0, v13, v14;
	vm0 =	veq.s32 v12, $0x4;
	v14 =	vperm.xlane v1, v10  }
0x1c: {  	v11 =	vld [tilespmem:s31+$0x0];
	v13 =	vsel vm0, v15, v13;
	vm0 =	veq.s32 v12, $0x5  }
0x1d: {  	v8 =	vshrl.u32 v9, $0x4;
	v15 =	vperm.xlane v0, v10;
	v13 =	vsel vm0, v14, v13  }
0x1e: {  	vm0 =	veq.s32 v12, $0x6;
	v14 =	vperm.xlane v2, v10;
	v10 =	vand.u32 $0xF, v9  }
0x1f: {  	v9 =	vsel vm0, v15, v13;
	vm0 =	veq.s32 v12, $0x7;
	v12 =	vperm.xlane v6, v10  }
0x20: {  	v13 =	vperm.xlane v7, v10;
	v15 =	vperm.xlane v4, v10  }
0x21: {  	v14 =	vsel vm0, v14, v9;
	v9 =	vshrl.u32 v11, $0x4;
	vm0 =	veq.s32 v8, $0x1  }
0x22: {  	s4 =	simm.s32 $0x480;
	v13 =	vsel vm0, v13, v12;
	vm0 =	veq.s32 v8, $0x2;
	v12 =	vperm.xlane v5, v10  }
0x23: {  	s5 =	simm.s32 $0x20;
	s6 =	simm.s32 $0x30;
	[tilespmem:s4+$0x0] =	vst v14;
	v14 =	vsel vm0, v15, v13;
	vm0 =	veq.s32 v8, $0x3;
	v13 =	vperm.xlane v3, v10  }
.LBB2_1:
0x24: {  	v15 =	vld [tilespmem:s6+$0x0];
	v12 =	vsel vm0, v12, v14;
	vm0 =	veq.s32 v8, $0x4;
	v14 =	vperm.xlane v1, v10  }
0x25: {  	s5 =	sadd.s32 $0x10, s5;
	v12 =	vsel vm0, v13, v12;
	vm0 =	veq.s32 v8, $0x5;
	v13 =	vperm.xlane v0, v10  }
0x26: {  	p0 =	slt.u32 s5, $0x3F0;
	v12 =	vsel vm0, v14, v12;
	vm0 =	veq.s32 v8, $0x6;
	v14 =	vperm.xlane v2, v10  }
.Ltmp0:
0x27: {  	v10 =	vand.u32 $0xF, v11;
	v17 =	vsel vm0, v13, v12;
	vm0 =	veq.s32 v8, $0x7;
	v8 =	vmovc v9;
	(pc) =	sbr.rel @p0 .LBB2_1-.Ltmp0, $4  }
0x28: {  	s4 =	sadd.s32 $0x10, s4;
	v12 =	vperm.xlane v6, v10;
	v13 =	vperm.xlane v7, v10;
	v16 =	vsel vm0, v14, v17  }
0x29: {  	vm0 =	veq.s32 v8, $0x1;
	v14 =	vperm.xlane v4, v10;
	v9 =	vshrl.u32 v15, $0x4;
	[tilespmem:s4+$0x0] =	vst v16;
	v11 =	vmovc v15  }
0x2a: {  	v13 =	vsel vm0, v13, v12;
	vm0 =	veq.s32 v8, $0x2;
	v12 =	vperm.xlane v5, v10  }
0x2b: {  	s6 =	sadd.s32 $0x10, s6;
	v14 =	vsel vm0, v14, v13;
	vm0 =	veq.s32 v8, $0x3;
	v13 =	vperm.xlane v3, v10  }
0x2c: {  	v12 =	vsel vm0, v12, v14  }
0x2d: {  	vm6 =	veq.s32 v8, $0x4;
	v57 =	vperm.xlane v1, v10;
	vm7 =	veq.s32 v8, $0x5  }
0x2e: {  	v58 =	vperm.xlane v0, v10;
	vm8 =	veq.s32 v8, $0x6;
	v59 =	vperm.xlane v2, v10  }
0x2f: {  	v11 =	vand.u32 $0xF, v11;
	vm9 =	veq.s32 v8, $0x7;
	vm1 =	veq.s32 v9, $0x1  }
0x30: {  	vm10 =	veq.s32 v9, $0x2;
	v6 =	vperm.xlane v6, v11;
	v7 =	vperm.xlane v7, v11  }
0x31: {  	vm11 =	veq.s32 v9, $0x3;
	vm12 =	veq.s32 v9, $0x4;
	v4 =	vperm.xlane v4, v11  }
0x32: {  	vm13 =	veq.s32 v9, $0x5;
	v5 =	vperm.xlane v5, v11;
	v6 =	vsel vm1, v7, v6  }
0x33: {  	vm14 =	veq.s32 v9, $0x6;
	v3 =	vperm.xlane v3, v11;
	v4 =	vsel vm10, v4, v6  }
0x34: {  	v12 =	vsel vm6, v13, v12;
	v60 =	vperm.xlane v1, v11;
	v4 =	vsel vm11, v5, v4  }
0x35: {  	v61 =	vperm.xlane v0, v11;
	v12 =	vsel vm7, v57, v12;
	v3 =	vsel vm12, v3, v4  }
0x36: {  	v62 =	vperm.xlane v2, v11;
	v12 =	vsel vm8, v58, v12;
	v1 =	vsel vm13, v60, v3  }
0x37: {  	s4 =	sadd.s32 $0x10, s4;
	vm15 =	veq.s32 v9, $0x7;
	v63 =	vsel vm9, v59, v12;
	v0 =	vsel vm14, v61, v1  }
0x38: {  	s2 =	sadd.s32 s2, s3;
	[tilespmem:s4+$0x0] =	vst v63;
	s4 =	sadd.s32 $0x10, s4;
	v0 =	vsel vm15, v62, v0  }
0x39: {  	s29 =	simm.s32 $0x0;
	s30 =	simm.s32 $0x480;
	s31 =	simm.s32 $0x2;
	[tilespmem:s4+$0x0] =	vst v0  }
0x3a: {  	[hbm4b:s2+s29] =	stream.linear.scatter [tilespmem:s30], [sflag:$0x2], $0x400, $0x38;
	[tilespmem:$0x880] =	vst v63  }
0x3b: {  	_ =	swait.ge [sflag:s31], $0x400  }
0x3c: {  	[sflag:s31] =	ssyncset.done $0x0  }
0x3d: {  	[sflag:s31] =	ssyncadd.s32 $0xFFFFFC00  }
0x3e: {  	_ =	sfence.sel $0x180000  }
0x3f: {  	[bflag:$0x0] =	sbarrier.arrive $0xFFFF  }
0x40: {  	p0 =	sne.s32 s1, $0x0;
	_ =	strace $0x90000047  }
0x41: {  	s0 =	sadd.s32 @!p0 $0x100000, s0;
	[bflag:$0x2] =	sbarrier.arrive $0xFFFF  }
0x42: {  	[sflag:s0] =	ssyncadd.tile.s32 @!p0 $0x1;
	_ =	shalt  }
.Lfunc_end2:
_tile_overlayer_lowered:
.L_overlay_start_2:
0x43: {  	(tag) =	ssettag $0x2  }
0x44: {  	s0 =	rddreg [dreg:$0x0];
	s2 =	stileid.u32  }
0x45: {  	s1 =	rddreg [dreg:$0x1];
	p0 =	sne.s32 s2, $0x0  }
0x46: {  	s3 =	rddreg [dreg:$0x2];
	[bflag:$0x3] =	sbarrier.arrive $0xFFFF;
	s2 =	simm.s32 @!p0 $0x1C02  }
0x47: {  	[timem:s3], [sflag:s2] =	dma.local @!p0 [hbm:s0], s1  }
0x48: {  	s0 =	simm.s32 @!p0 $0x2  }
0x49: {  	_ =	swait.ge @!p0 [sflag:s0], s1  }
0x4a: {  	s1 =	ssub.s32 @!p0 $0x0, s1;
	[sflag:s0] =	ssyncset.done @!p0 $0x0  }
0x4b: {  	[sflag:s0] =	ssyncadd.s32 @!p0 s1  }
0x4c: {  	[bflag:$0x3] =	sbarrier.arrive $0xFFFF  }
0x4d: {  	_ =	shalt  }

</sc_bundles>
